<compile_context>
chip_gen: v7x
topology: tpu7x:2x2x1
jax: 0.10.2.dev20260603
libtpu: 0.0.44.dev20260713+nightly
codegen_flags: <defaults>
</compile_context>

<pallas_src>
import functools

import jax
import jax.numpy as jnp
from jax import lax
from jax.experimental import pallas as pl
from jax.experimental.pallas import tpu as pltpu
from jax.experimental.pallas import tpu_sc as plsc

_L = 16


def _make_sc_gather(n, b, h, w, nc, ns):
    nrows_out = h * b
    nw = nc * ns
    per_w = nrows_out // nw
    half = per_w - per_w // 2
    gsz = -(-half // _L) * _L
    mesh = plsc.VectorSubcoreMesh(core_axis_name="c", subcore_axis_name="s")

    @functools.partial(
        pl.kernel,
        mesh=mesh,
        compiler_params=pltpu.CompilerParams(use_tc_tiling_on_sc=False, needs_layout_passes=False),
        out_type=jax.ShapeDtypeStruct((nrows_out, w), jnp.float32),
        scratch_types=[
            pltpu.VMEM((b,), jnp.int32),
            pltpu.VMEM((gsz,), jnp.int32),
            pltpu.VMEM((gsz,), jnp.int32),
            pltpu.VMEM((gsz, w), jnp.float32),
            pltpu.VMEM((gsz, w), jnp.float32),
            pltpu.SemaphoreType.DMA,
            pltpu.SemaphoreType.DMA,
        ],
    )
    def sc_gather(
        table_hbm, idx_hbm, out_hbm, idxv, idx0, idx1, rows0, rows1, sem0, sem1
    ):
        wid = lax.axis_index("s") * nc + lax.axis_index("c")
        base = wid * per_w
        pltpu.sync_copy(idx_hbm, idxv)
        lanes = lax.iota(jnp.int32, _L)

        def fill(t, ibuf):
            for j in range(gsz // _L):
                r = jnp.minimum(base + t * half + j * _L + lanes, nrows_out - 1)
                bb = lax.rem(r, b)
                ix = plsc.load_gather(idxv, [bb])
                ibuf[pl.ds(j * _L, _L)] = r + (n - ix) * nrows_out

        fill(0, idx0)
        c0 = pltpu.async_copy(table_hbm.at[idx0], rows0, sem0)
        fill(1, idx1)
        c1 = pltpu.async_copy(table_hbm.at[idx1], rows1, sem1)
        c0.wait()
        w0 = pltpu.async_copy(
            rows0.at[pl.ds(0, half)], out_hbm.at[pl.ds(base, half)], sem0
        )
        c1.wait()
        w1 = pltpu.async_copy(
            rows1.at[pl.ds(0, per_w - half)],
            out_hbm.at[pl.ds(base + half, per_w - half)],
            sem1,
        )
        w0.wait()
        w1.wait()

    return sc_gather


def kernel(inputs, idx_x):
    b, n, h, w = inputs.shape
    info = plsc.get_sparse_core_info()
    nc, ns = info.num_cores, info.num_subcores
    table = jnp.transpose(inputs, (1, 2, 0, 3)).reshape(n * h * b, w)
    out_flat = _make_sc_gather(n, b, h, w, nc, ns)(table, idx_x.astype(jnp.int32))
    return jnp.transpose(out_flat.reshape(h, b, w), (1, 0, 2))

# --- scband reference (transcript-rebuilt; emitter-appended) ---
"""Pipeline reference for scband-select-station-uncentered-63445256896730 (READ-ONLY COPY).

The authoritative reference and input builder live on the scoring server;
editing this copy changes nothing except your own understanding.
"""

import jax, jax.numpy as jnp
import numpy as np

LEN_X = 69
IDX_X = np.array([5, 12, 33, 47, 60, 8, 21, 55, 3, 68, 14, 29, 41, 50, 7, 62, 18, 36, 44, 9, 25, 57, 11, 39, 66, 2, 48, 31, 16, 53, 64, 6, 27, 42, 58, 13, 35, 69, 20, 45, 1, 52, 30, 10, 61, 24, 38, 49, 15, 67, 4, 56, 22, 43, 59, 17, 34, 65, 28, 46, 19, 63, 37, 51], dtype=np.int32)


def setup_inputs(seed: int = 0) -> dict:
    key = jax.random.key(seed)
    inputs = jax.random.normal(key, (64, 69, 79, 128), dtype=jnp.float32)
    idx_x = jnp.asarray(IDX_X, dtype=jnp.int32)
    return {"inputs": inputs, "idx_x": idx_x}


def reference(inputs, idx_x):
    # Faithful to SelectStationUncentered.call:
    #   self.idx_x = len_x - idx_x (computed in __init__)
    #   out = tf.gather(inputs, self.idx_x, batch_dims=1)
    # With rank-1 indices and batch_dims=1 this is a per-batch-element
    # gather along axis 1: out[b] = inputs[b, len_x - idx_x[b], ...]
    gather_idx = LEN_X - idx_x  # values in [0, 68]
    b = jnp.arange(inputs.shape[0])
    out = inputs[b, gather_idx]
    return out

if __name__ == "__main__":
    import jax
    _d = setup_inputs()
    print(jax.jit(kernel)(*tuple(_d.values())))

</pallas_src>

<mosaic_0001>
#map = affine_map<(d0, d1) -> (0, 0)>
#map1 = affine_map<(d0, d1) -> (0)>
module attributes {stable_mosaic.version = 14 : i64} {
  func.func @sc_gather(%arg0: i32, %arg1: i32, %arg2: memref<348864x128xf32, #tpu.memory_space<hbm>>, %arg3: memref<64xi32, #tpu.memory_space<hbm>>, %arg4: memref<5056x128xf32, #tpu.memory_space<hbm>>, %arg5: memref<64xi32, #tpu.memory_space<vmem>>, %arg6: memref<80xi32, #tpu.memory_space<vmem>>, %arg7: memref<80xi32, #tpu.memory_space<vmem>>, %arg8: memref<80x128xf32, #tpu.memory_space<vmem>>, %arg9: memref<80x128xf32, #tpu.memory_space<vmem>>, %arg10: memref<!tpu.dma_semaphore, #tpu.memory_space<semaphore_mem>>, %arg11: memref<!tpu.dma_semaphore, #tpu.memory_space<semaphore_mem>>) attributes {dimension_semantics = [#tpu.dimension_semantics<core_parallel>, #tpu.dimension_semantics<subcore_parallel>], iteration_bounds = array<i64: 2, 16>, scalar_prefetch = 0 : i64, scratch_operands = 7 : i64, tpu.core_type = #tpu.core_type<sc_vector_subcore>, window_params = [{transform_indices = #map}, {transform_indices = #map1}, {transform_indices = #map}]} {
    %mul3A = arith.constant 2 : i32
    %mul3A_0 = arith.muli %arg1, %mul3A : i32
    %add3A = arith.addi %mul3A_0, %arg0 : i32
    %mul3A_1 = arith.constant 158 : i32
    %mul3A_2 = arith.muli %add3A, %mul3A_1 : i32
    "tpu.region"() ({
      %run_scoped3A = tpu.sem_alloc : memref<!tpu.dma_semaphore, #tpu.memory_space<semaphore_mem>>
      tpu.enqueue_dma source(%arg3 : memref<64xi32, #tpu.memory_space<hbm>>) target(%arg5 : memref<64xi32, #tpu.memory_space<vmem>>) target_semaphore(%run_scoped3A : memref<!tpu.dma_semaphore, #tpu.memory_space<semaphore_mem>>)
      tpu.wait_dma2 semaphore(%run_scoped3A : memref<!tpu.dma_semaphore, #tpu.memory_space<semaphore_mem>>) src(%arg3 : memref<64xi32, #tpu.memory_space<hbm>>) dst(%arg5 : memref<64xi32, #tpu.memory_space<vmem>>)
      tpu.yield
    }) : () -> ()
    %iota3A = tpu.iota {dimensions = array<i32: 0>} : vector<16xi32>
    %add3A_3 = arith.constant 0 : i32
    %add3A_4 = arith.addi %mul3A_2, %add3A_3 : i32
    %add3A_5 = arith.constant 0 : i32
    %add3A_6 = arith.addi %add3A_4, %add3A_5 : i32
    %add3A_7 = vector.broadcast %add3A_6 : i32 to vector<16xi32>
    %add3A_8 = arith.addi %add3A_7, %iota3A : vector<16xi32>
    %min3A = arith.constant 5055 : i32
    %min3A_9 = vector.broadcast %min3A : i32 to vector<16xi32>
    %min3A_10 = arith.minsi %add3A_8, %min3A_9 : vector<16xi32>
    %rem3A = arith.constant 64 : i32
    %rem3A_11 = vector.broadcast %rem3A : i32 to vector<16xi32>
    %rem3A_12 = arith.remsi %min3A_10, %rem3A_11 : vector<16xi32>
    %gather3A = tpu.vector_load_idx %arg5[%rem3A_12] : memref<64xi32, #tpu.memory_space<vmem>>[vector<16xi32>], vector<16xi32>,
    %sub3A = arith.constant 69 : i32
    %sub3A_13 = vector.broadcast %sub3A : i32 to vector<16xi32>
    %sub3A_14 = arith.subi %sub3A_13, %gather3A : vector<16xi32>
    %mul3A_15 = arith.constant 5056 : i32
    %mul3A_16 = vector.broadcast %mul3A_15 : i32 to vector<16xi32>
    %mul3A_17 = arith.muli %sub3A_14, %mul3A_16 : vector<16xi32>
    %add3A_18 = arith.addi %min3A_10, %mul3A_17 : vector<16xi32>
    %swap3A = arith.constant 0 : index
    %swap3A_19 = tpu.vector_load %arg6[%swap3A] {strides = array<i32>} : memref<80xi32, #tpu.memory_space<vmem>>, vector<16xi32>,
    tpu.vector_store %arg6[%swap3A], %add3A_18 {strides = array<i32>} : memref<80xi32, #tpu.memory_space<vmem>>, vector<16xi32>,
    %add3A_20 = arith.constant 0 : i32
    %add3A_21 = arith.addi %mul3A_2, %add3A_20 : i32
    %add3A_22 = arith.constant 16 : i32
    %add3A_23 = arith.addi %add3A_21, %add3A_22 : i32
    %add3A_24 = vector.broadcast %add3A_23 : i32 to vector<16xi32>
    %add3A_25 = arith.addi %add3A_24, %iota3A : vector<16xi32>
    %min3A_26 = arith.constant 5055 : i32
    %min3A_27 = vector.broadcast %min3A_26 : i32 to vector<16xi32>
    %min3A_28 = arith.minsi %add3A_25, %min3A_27 : vector<16xi32>
    %rem3A_29 = arith.constant 64 : i32
    %rem3A_30 = vector.broadcast %rem3A_29 : i32 to vector<16xi32>
    %rem3A_31 = arith.remsi %min3A_28, %rem3A_30 : vector<16xi32>
    %gather3A_32 = tpu.vector_load_idx %arg5[%rem3A_31] : memref<64xi32, #tpu.memory_space<vmem>>[vector<16xi32>], vector<16xi32>,
    %sub3A_33 = arith.constant 69 : i32
    %sub3A_34 = vector.broadcast %sub3A_33 : i32 to vector<16xi32>
    %sub3A_35 = arith.subi %sub3A_34, %gather3A_32 : vector<16xi32>
    %mul3A_36 = arith.constant 5056 : i32
    %mul3A_37 = vector.broadcast %mul3A_36 : i32 to vector<16xi32>
    %mul3A_38 = arith.muli %sub3A_35, %mul3A_37 : vector<16xi32>
    %add3A_39 = arith.addi %min3A_28, %mul3A_38 : vector<16xi32>
    %swap3A_40 = arith.constant 16 : index
    %swap3A_41 = tpu.vector_load %arg6[%swap3A_40] {strides = array<i32>} : memref<80xi32, #tpu.memory_space<vmem>>, vector<16xi32>,
    tpu.vector_store %arg6[%swap3A_40], %add3A_39 {strides = array<i32>} : memref<80xi32, #tpu.memory_space<vmem>>, vector<16xi32>,
    %add3A_42 = arith.constant 0 : i32
    %add3A_43 = arith.addi %mul3A_2, %add3A_42 : i32
    %add3A_44 = arith.constant 32 : i32
    %add3A_45 = arith.addi %add3A_43, %add3A_44 : i32
    %add3A_46 = vector.broadcast %add3A_45 : i32 to vector<16xi32>
    %add3A_47 = arith.addi %add3A_46, %iota3A : vector<16xi32>
    %min3A_48 = arith.constant 5055 : i32
    %min3A_49 = vector.broadcast %min3A_48 : i32 to vector<16xi32>
    %min3A_50 = arith.minsi %add3A_47, %min3A_49 : vector<16xi32>
    %rem3A_51 = arith.constant 64 : i32
    %rem3A_52 = vector.broadcast %rem3A_51 : i32 to vector<16xi32>
    %rem3A_53 = arith.remsi %min3A_50, %rem3A_52 : vector<16xi32>
    %gather3A_54 = tpu.vector_load_idx %arg5[%rem3A_53] : memref<64xi32, #tpu.memory_space<vmem>>[vector<16xi32>], vector<16xi32>,
    %sub3A_55 = arith.constant 69 : i32
    %sub3A_56 = vector.broadcast %sub3A_55 : i32 to vector<16xi32>
    %sub3A_57 = arith.subi %sub3A_56, %gather3A_54 : vector<16xi32>
    %mul3A_58 = arith.constant 5056 : i32
    %mul3A_59 = vector.broadcast %mul3A_58 : i32 to vector<16xi32>
    %mul3A_60 = arith.muli %sub3A_57, %mul3A_59 : vector<16xi32>
    %add3A_61 = arith.addi %min3A_50, %mul3A_60 : vector<16xi32>
    %swap3A_62 = arith.constant 32 : index
    %swap3A_63 = tpu.vector_load %arg6[%swap3A_62] {strides = array<i32>} : memref<80xi32, #tpu.memory_space<vmem>>, vector<16xi32>,
    tpu.vector_store %arg6[%swap3A_62], %add3A_61 {strides = array<i32>} : memref<80xi32, #tpu.memory_space<vmem>>, vector<16xi32>,
    %add3A_64 = arith.constant 0 : i32
    %add3A_65 = arith.addi %mul3A_2, %add3A_64 : i32
    %add3A_66 = arith.constant 48 : i32
    %add3A_67 = arith.addi %add3A_65, %add3A_66 : i32
    %add3A_68 = vector.broadcast %add3A_67 : i32 to vector<16xi32>
    %add3A_69 = arith.addi %add3A_68, %iota3A : vector<16xi32>
    %min3A_70 = arith.constant 5055 : i32
    %min3A_71 = vector.broadcast %min3A_70 : i32 to vector<16xi32>
    %min3A_72 = arith.minsi %add3A_69, %min3A_71 : vector<16xi32>
    %rem3A_73 = arith.constant 64 : i32
    %rem3A_74 = vector.broadcast %rem3A_73 : i32 to vector<16xi32>
    %rem3A_75 = arith.remsi %min3A_72, %rem3A_74 : vector<16xi32>
    %gather3A_76 = tpu.vector_load_idx %arg5[%rem3A_75] : memref<64xi32, #tpu.memory_space<vmem>>[vector<16xi32>], vector<16xi32>,
    %sub3A_77 = arith.constant 69 : i32
    %sub3A_78 = vector.broadcast %sub3A_77 : i32 to vector<16xi32>
    %sub3A_79 = arith.subi %sub3A_78, %gather3A_76 : vector<16xi32>
    %mul3A_80 = arith.constant 5056 : i32
    %mul3A_81 = vector.broadcast %mul3A_80 : i32 to vector<16xi32>
    %mul3A_82 = arith.muli %sub3A_79, %mul3A_81 : vector<16xi32>
    %add3A_83 = arith.addi %min3A_72, %mul3A_82 : vector<16xi32>
    %swap3A_84 = arith.constant 48 : index
    %swap3A_85 = tpu.vector_load %arg6[%swap3A_84] {strides = array<i32>} : memref<80xi32, #tpu.memory_space<vmem>>, vector<16xi32>,
    tpu.vector_store %arg6[%swap3A_84], %add3A_83 {strides = array<i32>} : memref<80xi32, #tpu.memory_space<vmem>>, vector<16xi32>,
    %add3A_86 = arith.constant 0 : i32
    %add3A_87 = arith.addi %mul3A_2, %add3A_86 : i32
    %add3A_88 = arith.constant 64 : i32
    %add3A_89 = arith.addi %add3A_87, %add3A_88 : i32
    %add3A_90 = vector.broadcast %add3A_89 : i32 to vector<16xi32>
    %add3A_91 = arith.addi %add3A_90, %iota3A : vector<16xi32>
    %min3A_92 = arith.constant 5055 : i32
    %min3A_93 = vector.broadcast %min3A_92 : i32 to vector<16xi32>
    %min3A_94 = arith.minsi %add3A_91, %min3A_93 : vector<16xi32>
    %rem3A_95 = arith.constant 64 : i32
    %rem3A_96 = vector.broadcast %rem3A_95 : i32 to vector<16xi32>
    %rem3A_97 = arith.remsi %min3A_94, %rem3A_96 : vector<16xi32>
    %gather3A_98 = tpu.vector_load_idx %arg5[%rem3A_97] : memref<64xi32, #tpu.memory_space<vmem>>[vector<16xi32>], vector<16xi32>,
    %sub3A_99 = arith.constant 69 : i32
    %sub3A_100 = vector.broadcast %sub3A_99 : i32 to vector<16xi32>
    %sub3A_101 = arith.subi %sub3A_100, %gather3A_98 : vector<16xi32>
    %mul3A_102 = arith.constant 5056 : i32
    %mul3A_103 = vector.broadcast %mul3A_102 : i32 to vector<16xi32>
    %mul3A_104 = arith.muli %sub3A_101, %mul3A_103 : vector<16xi32>
    %add3A_105 = arith.addi %min3A_94, %mul3A_104 : vector<16xi32>
    %swap3A_106 = arith.constant 64 : index
    %swap3A_107 = tpu.vector_load %arg6[%swap3A_106] {strides = array<i32>} : memref<80xi32, #tpu.memory_space<vmem>>, vector<16xi32>,
    tpu.vector_store %arg6[%swap3A_106], %add3A_105 {strides = array<i32>} : memref<80xi32, #tpu.memory_space<vmem>>, vector<16xi32>,
    %dma_start3A = arith.constant 0 : i32
    %dma_start3A_108 = arith.constant 0 : i32
    %dma_start3A_109 = tpu.memref_slice %arg2[%dma_start3A, %dma_start3A_108] : memref<348864x128xf32, #tpu.memory_space<hbm>> -> memref<348864x128xf32, #tpu.memory_space<hbm>>
    tpu.enqueue_indirect_dma source(%dma_start3A_109 : memref<348864x128xf32, #tpu.memory_space<hbm>>) target(%arg8 : memref<80x128xf32, #tpu.memory_space<vmem>>) offsets(%arg6 : memref<80xi32, #tpu.memory_space<vmem>>) semaphore(%arg10 : memref<!tpu.dma_semaphore, #tpu.memory_space<semaphore_mem>>)
    %add3A_110 = arith.constant 79 : i32
    %add3A_111 = arith.addi %mul3A_2, %add3A_110 : i32
    %add3A_112 = arith.constant 0 : i32
    %add3A_113 = arith.addi %add3A_111, %add3A_112 : i32
    %add3A_114 = vector.broadcast %add3A_113 : i32 to vector<16xi32>
    %add3A_115 = arith.addi %add3A_114, %iota3A : vector<16xi32>
    %min3A_116 = arith.constant 5055 : i32
    %min3A_117 = vector.broadcast %min3A_116 : i32 to vector<16xi32>
    %min3A_118 = arith.minsi %add3A_115, %min3A_117 : vector<16xi32>
    %rem3A_119 = arith.constant 64 : i32
    %rem3A_120 = vector.broadcast %rem3A_119 : i32 to vector<16xi32>
    %rem3A_121 = arith.remsi %min3A_118, %rem3A_120 : vector<16xi32>
    %gather3A_122 = tpu.vector_load_idx %arg5[%rem3A_121] : memref<64xi32, #tpu.memory_space<vmem>>[vector<16xi32>], vector<16xi32>,
    %sub3A_123 = arith.constant 69 : i32
    %sub3A_124 = vector.broadcast %sub3A_123 : i32 to vector<16xi32>
    %sub3A_125 = arith.subi %sub3A_124, %gather3A_122 : vector<16xi32>
    %mul3A_126 = arith.constant 5056 : i32
    %mul3A_127 = vector.broadcast %mul3A_126 : i32 to vector<16xi32>
    %mul3A_128 = arith.muli %sub3A_125, %mul3A_127 : vector<16xi32>
    %add3A_129 = arith.addi %min3A_118, %mul3A_128 : vector<16xi32>
    %swap3A_130 = arith.constant 0 : index
    %swap3A_131 = tpu.vector_load %arg7[%swap3A_130] {strides = array<i32>} : memref<80xi32, #tpu.memory_space<vmem>>, vector<16xi32>,
    tpu.vector_store %arg7[%swap3A_130], %add3A_129 {strides = array<i32>} : memref<80xi32, #tpu.memory_space<vmem>>, vector<16xi32>,
    %add3A_132 = arith.constant 79 : i32
    %add3A_133 = arith.addi %mul3A_2, %add3A_132 : i32
    %add3A_134 = arith.constant 16 : i32
    %add3A_135 = arith.addi %add3A_133, %add3A_134 : i32
    %add3A_136 = vector.broadcast %add3A_135 : i32 to vector<16xi32>
    %add3A_137 = arith.addi %add3A_136, %iota3A : vector<16xi32>
    %min3A_138 = arith.constant 5055 : i32
    %min3A_139 = vector.broadcast %min3A_138 : i32 to vector<16xi32>
    %min3A_140 = arith.minsi %add3A_137, %min3A_139 : vector<16xi32>
    %rem3A_141 = arith.constant 64 : i32
    %rem3A_142 = vector.broadcast %rem3A_141 : i32 to vector<16xi32>
    %rem3A_143 = arith.remsi %min3A_140, %rem3A_142 : vector<16xi32>
    %gather3A_144 = tpu.vector_load_idx %arg5[%rem3A_143] : memref<64xi32, #tpu.memory_space<vmem>>[vector<16xi32>], vector<16xi32>,
    %sub3A_145 = arith.constant 69 : i32
    %sub3A_146 = vector.broadcast %sub3A_145 : i32 to vector<16xi32>
    %sub3A_147 = arith.subi %sub3A_146, %gather3A_144 : vector<16xi32>
    %mul3A_148 = arith.constant 5056 : i32
    %mul3A_149 = vector.broadcast %mul3A_148 : i32 to vector<16xi32>
    %mul3A_150 = arith.muli %sub3A_147, %mul3A_149 : vector<16xi32>
    %add3A_151 = arith.addi %min3A_140, %mul3A_150 : vector<16xi32>
    %swap3A_152 = arith.constant 16 : index
    %swap3A_153 = tpu.vector_load %arg7[%swap3A_152] {strides = array<i32>} : memref<80xi32, #tpu.memory_space<vmem>>, vector<16xi32>,
    tpu.vector_store %arg7[%swap3A_152], %add3A_151 {strides = array<i32>} : memref<80xi32, #tpu.memory_space<vmem>>, vector<16xi32>,
    %add3A_154 = arith.constant 79 : i32
    %add3A_155 = arith.addi %mul3A_2, %add3A_154 : i32
    %add3A_156 = arith.constant 32 : i32
    %add3A_157 = arith.addi %add3A_155, %add3A_156 : i32
    %add3A_158 = vector.broadcast %add3A_157 : i32 to vector<16xi32>
    %add3A_159 = arith.addi %add3A_158, %iota3A : vector<16xi32>
    %min3A_160 = arith.constant 5055 : i32
    %min3A_161 = vector.broadcast %min3A_160 : i32 to vector<16xi32>
    %min3A_162 = arith.minsi %add3A_159, %min3A_161 : vector<16xi32>
    %rem3A_163 = arith.constant 64 : i32
    %rem3A_164 = vector.broadcast %rem3A_163 : i32 to vector<16xi32>
    %rem3A_165 = arith.remsi %min3A_162, %rem3A_164 : vector<16xi32>
    %gather3A_166 = tpu.vector_load_idx %arg5[%rem3A_165] : memref<64xi32, #tpu.memory_space<vmem>>[vector<16xi32>], vector<16xi32>,
    %sub3A_167 = arith.constant 69 : i32
    %sub3A_168 = vector.broadcast %sub3A_167 : i32 to vector<16xi32>
    %sub3A_169 = arith.subi %sub3A_168, %gather3A_166 : vector<16xi32>
    %mul3A_170 = arith.constant 5056 : i32
    %mul3A_171 = vector.broadcast %mul3A_170 : i32 to vector<16xi32>
    %mul3A_172 = arith.muli %sub3A_169, %mul3A_171 : vector<16xi32>
    %add3A_173 = arith.addi %min3A_162, %mul3A_172 : vector<16xi32>
    %swap3A_174 = arith.constant 32 : index
    %swap3A_175 = tpu.vector_load %arg7[%swap3A_174] {strides = array<i32>} : memref<80xi32, #tpu.memory_space<vmem>>, vector<16xi32>,
    tpu.vector_store %arg7[%swap3A_174], %add3A_173 {strides = array<i32>} : memref<80xi32, #tpu.memory_space<vmem>>, vector<16xi32>,
    %add3A_176 = arith.constant 79 : i32
    %add3A_177 = arith.addi %mul3A_2, %add3A_176 : i32
    %add3A_178 = arith.constant 48 : i32
    %add3A_179 = arith.addi %add3A_177, %add3A_178 : i32
    %add3A_180 = vector.broadcast %add3A_179 : i32 to vector<16xi32>
    %add3A_181 = arith.addi %add3A_180, %iota3A : vector<16xi32>
    %min3A_182 = arith.constant 5055 : i32
    %min3A_183 = vector.broadcast %min3A_182 : i32 to vector<16xi32>
    %min3A_184 = arith.minsi %add3A_181, %min3A_183 : vector<16xi32>
    %rem3A_185 = arith.constant 64 : i32
    %rem3A_186 = vector.broadcast %rem3A_185 : i32 to vector<16xi32>
    %rem3A_187 = arith.remsi %min3A_184, %rem3A_186 : vector<16xi32>
    %gather3A_188 = tpu.vector_load_idx %arg5[%rem3A_187] : memref<64xi32, #tpu.memory_space<vmem>>[vector<16xi32>], vector<16xi32>,
    %sub3A_189 = arith.constant 69 : i32
    %sub3A_190 = vector.broadcast %sub3A_189 : i32 to vector<16xi32>
    %sub3A_191 = arith.subi %sub3A_190, %gather3A_188 : vector<16xi32>
    %mul3A_192 = arith.constant 5056 : i32
    %mul3A_193 = vector.broadcast %mul3A_192 : i32 to vector<16xi32>
    %mul3A_194 = arith.muli %sub3A_191, %mul3A_193 : vector<16xi32>
    %add3A_195 = arith.addi %min3A_184, %mul3A_194 : vector<16xi32>
    %swap3A_196 = arith.constant 48 : index
    %swap3A_197 = tpu.vector_load %arg7[%swap3A_196] {strides = array<i32>} : memref<80xi32, #tpu.memory_space<vmem>>, vector<16xi32>,
    tpu.vector_store %arg7[%swap3A_196], %add3A_195 {strides = array<i32>} : memref<80xi32, #tpu.memory_space<vmem>>, vector<16xi32>,
    %add3A_198 = arith.constant 79 : i32
    %add3A_199 = arith.addi %mul3A_2, %add3A_198 : i32
    %add3A_200 = arith.constant 64 : i32
    %add3A_201 = arith.addi %add3A_199, %add3A_200 : i32
    %add3A_202 = vector.broadcast %add3A_201 : i32 to vector<16xi32>
    %add3A_203 = arith.addi %add3A_202, %iota3A : vector<16xi32>
    %min3A_204 = arith.constant 5055 : i32
    %min3A_205 = vector.broadcast %min3A_204 : i32 to vector<16xi32>
    %min3A_206 = arith.minsi %add3A_203, %min3A_205 : vector<16xi32>
    %rem3A_207 = arith.constant 64 : i32
    %rem3A_208 = vector.broadcast %rem3A_207 : i32 to vector<16xi32>
    %rem3A_209 = arith.remsi %min3A_206, %rem3A_208 : vector<16xi32>
    %gather3A_210 = tpu.vector_load_idx %arg5[%rem3A_209] : memref<64xi32, #tpu.memory_space<vmem>>[vector<16xi32>], vector<16xi32>,
    %sub3A_211 = arith.constant 69 : i32
    %sub3A_212 = vector.broadcast %sub3A_211 : i32 to vector<16xi32>
    %sub3A_213 = arith.subi %sub3A_212, %gather3A_210 : vector<16xi32>
    %mul3A_214 = arith.constant 5056 : i32
    %mul3A_215 = vector.broadcast %mul3A_214 : i32 to vector<16xi32>
    %mul3A_216 = arith.muli %sub3A_213, %mul3A_215 : vector<16xi32>
    %add3A_217 = arith.addi %min3A_206, %mul3A_216 : vector<16xi32>
    %swap3A_218 = arith.constant 64 : index
    %swap3A_219 = tpu.vector_load %arg7[%swap3A_218] {strides = array<i32>} : memref<80xi32, #tpu.memory_space<vmem>>, vector<16xi32>,
    tpu.vector_store %arg7[%swap3A_218], %add3A_217 {strides = array<i32>} : memref<80xi32, #tpu.memory_space<vmem>>, vector<16xi32>,
    %dma_start3A_220 = arith.constant 0 : i32
    %dma_start3A_221 = arith.constant 0 : i32
    %dma_start3A_222 = tpu.memref_slice %arg2[%dma_start3A_220, %dma_start3A_221] : memref<348864x128xf32, #tpu.memory_space<hbm>> -> memref<348864x128xf32, #tpu.memory_space<hbm>>
    tpu.enqueue_indirect_dma source(%dma_start3A_222 : memref<348864x128xf32, #tpu.memory_space<hbm>>) target(%arg9 : memref<80x128xf32, #tpu.memory_space<vmem>>) offsets(%arg7 : memref<80xi32, #tpu.memory_space<vmem>>) semaphore(%arg11 : memref<!tpu.dma_semaphore, #tpu.memory_space<semaphore_mem>>)
    %dma_wait3A = arith.constant 0 : i32
    %dma_wait3A_223 = arith.constant 0 : i32
    %dma_wait3A_224 = tpu.memref_slice %arg2[%dma_wait3A, %dma_wait3A_223] : memref<348864x128xf32, #tpu.memory_space<hbm>> -> memref<348864x128xf32, #tpu.memory_space<hbm>>
    tpu.wait_indirect_dma semaphore(%arg10 : memref<!tpu.dma_semaphore, #tpu.memory_space<semaphore_mem>>) src(%dma_wait3A_224 : memref<348864x128xf32, #tpu.memory_space<hbm>>) dst(%arg8 : memref<80x128xf32, #tpu.memory_space<vmem>>)
    %dma_start3A_225 = arith.constant 0 : i32
    %dma_start3A_226 = arith.constant 0 : i32
    %dma_start3A_227 = tpu.memref_slice %arg8[%dma_start3A_225, %dma_start3A_226] : memref<80x128xf32, #tpu.memory_space<vmem>> -> memref<79x128xf32, #tpu.memory_space<vmem>>
    %dma_start3A_228 = arith.constant 0 : i32
    %dma_start3A_229 = tpu.memref_slice %arg4[%mul3A_2, %dma_start3A_228] : memref<5056x128xf32, #tpu.memory_space<hbm>> -> memref<79x128xf32, #tpu.memory_space<hbm>>
    %dma_start3A_230 = arith.constant 0 : i32
    %dma_start3A_231 = tpu.memref_slice %arg4[%mul3A_2, %dma_start3A_230] : memref<5056x128xf32, #tpu.memory_space<hbm>> -> memref<79x128xf32, #tpu.memory_space<hbm>>
    %dma_start3A_232 = arith.constant 0 : i32
    %dma_start3A_233 = arith.constant 0 : i32
    %dma_start3A_234 = tpu.memref_slice %arg8[%dma_start3A_232, %dma_start3A_233] : memref<80x128xf32, #tpu.memory_space<vmem>> -> memref<79x128xf32, #tpu.memory_space<vmem>>
    tpu.enqueue_dma source(%dma_start3A_234 : memref<79x128xf32, #tpu.memory_space<vmem>>) target(%dma_start3A_231 : memref<79x128xf32, #tpu.memory_space<hbm>>) target_semaphore(%arg10 : memref<!tpu.dma_semaphore, #tpu.memory_space<semaphore_mem>>)
    %dma_wait3A_235 = arith.constant 0 : i32
    %dma_wait3A_236 = arith.constant 0 : i32
    %dma_wait3A_237 = tpu.memref_slice %arg2[%dma_wait3A_235, %dma_wait3A_236] : memref<348864x128xf32, #tpu.memory_space<hbm>> -> memref<348864x128xf32, #tpu.memory_space<hbm>>
    tpu.wait_indirect_dma semaphore(%arg11 : memref<!tpu.dma_semaphore, #tpu.memory_space<semaphore_mem>>) src(%dma_wait3A_237 : memref<348864x128xf32, #tpu.memory_space<hbm>>) dst(%arg9 : memref<80x128xf32, #tpu.memory_space<vmem>>)
    %add3A_238 = arith.constant 79 : i32
    %add3A_239 = arith.addi %mul3A_2, %add3A_238 : i32
    %dma_start3A_240 = arith.constant 0 : i32
    %dma_start3A_241 = arith.constant 0 : i32
    %dma_start3A_242 = tpu.memref_slice %arg9[%dma_start3A_240, %dma_start3A_241] : memref<80x128xf32, #tpu.memory_space<vmem>> -> memref<79x128xf32, #tpu.memory_space<vmem>>
    %dma_start3A_243 = arith.constant 0 : i32
    %dma_start3A_244 = tpu.memref_slice %arg4[%add3A_239, %dma_start3A_243] : memref<5056x128xf32, #tpu.memory_space<hbm>> -> memref<79x128xf32, #tpu.memory_space<hbm>>
    %dma_start3A_245 = arith.constant 0 : i32
    %dma_start3A_246 = tpu.memref_slice %arg4[%add3A_239, %dma_start3A_245] : memref<5056x128xf32, #tpu.memory_space<hbm>> -> memref<79x128xf32, #tpu.memory_space<hbm>>
    %dma_start3A_247 = arith.constant 0 : i32
    %dma_start3A_248 = arith.constant 0 : i32
    %dma_start3A_249 = tpu.memref_slice %arg9[%dma_start3A_247, %dma_start3A_248] : memref<80x128xf32, #tpu.memory_space<vmem>> -> memref<79x128xf32, #tpu.memory_space<vmem>>
    tpu.enqueue_dma source(%dma_start3A_249 : memref<79x128xf32, #tpu.memory_space<vmem>>) target(%dma_start3A_246 : memref<79x128xf32, #tpu.memory_space<hbm>>) target_semaphore(%arg11 : memref<!tpu.dma_semaphore, #tpu.memory_space<semaphore_mem>>)
    %dma_wait3A_250 = arith.constant 0 : i32
    %dma_wait3A_251 = arith.constant 0 : i32
    %dma_wait3A_252 = tpu.memref_slice %arg8[%dma_wait3A_250, %dma_wait3A_251] : memref<80x128xf32, #tpu.memory_space<vmem>> -> memref<79x128xf32, #tpu.memory_space<vmem>>
    %dma_wait3A_253 = arith.constant 0 : i32
    %dma_wait3A_254 = tpu.memref_slice %arg4[%mul3A_2, %dma_wait3A_253] : memref<5056x128xf32, #tpu.memory_space<hbm>> -> memref<79x128xf32, #tpu.memory_space<hbm>>
    %dma_wait3A_255 = arith.constant 0 : i32
    %dma_wait3A_256 = tpu.memref_slice %arg4[%mul3A_2, %dma_wait3A_255] : memref<5056x128xf32, #tpu.memory_space<hbm>> -> memref<79x128xf32, #tpu.memory_space<hbm>>
    %dma_wait3A_257 = arith.constant 0 : i32
    %dma_wait3A_258 = arith.constant 0 : i32
    %dma_wait3A_259 = tpu.memref_slice %arg8[%dma_wait3A_257, %dma_wait3A_258] : memref<80x128xf32, #tpu.memory_space<vmem>> -> memref<79x128xf32, #tpu.memory_space<vmem>>
    tpu.wait_dma2 semaphore(%arg10 : memref<!tpu.dma_semaphore, #tpu.memory_space<semaphore_mem>>) src(%dma_wait3A_259 : memref<79x128xf32, #tpu.memory_space<vmem>>) dst(%dma_wait3A_256 : memref<79x128xf32, #tpu.memory_space<hbm>>)
    %dma_wait3A_260 = arith.constant 0 : i32
    %dma_wait3A_261 = arith.constant 0 : i32
    %dma_wait3A_262 = tpu.memref_slice %arg9[%dma_wait3A_260, %dma_wait3A_261] : memref<80x128xf32, #tpu.memory_space<vmem>> -> memref<79x128xf32, #tpu.memory_space<vmem>>
    %dma_wait3A_263 = arith.constant 0 : i32
    %dma_wait3A_264 = tpu.memref_slice %arg4[%add3A_239, %dma_wait3A_263] : memref<5056x128xf32, #tpu.memory_space<hbm>> -> memref<79x128xf32, #tpu.memory_space<hbm>>
    %dma_wait3A_265 = arith.constant 0 : i32
    %dma_wait3A_266 = tpu.memref_slice %arg4[%add3A_239, %dma_wait3A_265] : memref<5056x128xf32, #tpu.memory_space<hbm>> -> memref<79x128xf32, #tpu.memory_space<hbm>>
    %dma_wait3A_267 = arith.constant 0 : i32
    %dma_wait3A_268 = arith.constant 0 : i32
    %dma_wait3A_269 = tpu.memref_slice %arg9[%dma_wait3A_267, %dma_wait3A_268] : memref<80x128xf32, #tpu.memory_space<vmem>> -> memref<79x128xf32, #tpu.memory_space<vmem>>
    tpu.wait_dma2 semaphore(%arg11 : memref<!tpu.dma_semaphore, #tpu.memory_space<semaphore_mem>>) src(%dma_wait3A_269 : memref<79x128xf32, #tpu.memory_space<vmem>>) dst(%dma_wait3A_266 : memref<79x128xf32, #tpu.memory_space<hbm>>)
    return
  }
}

</mosaic_0001>

<sc_bundles>
// kernel: kernel.3.cloned.1.call-start
scs
__scs_entry_jumppad:
0x0: {  	(pc) =	sbr.rel $0x88, $3  }
0x1: {  	(tag) =	ssettag $0x0;
	lr =	simm.s32 $0x1  }
0x2: {  	[smem:$0x3F9F] =	sst lr;
	_ =	strace $0xD0000000  }
0x3: {  	_ = 	snop  }
0x4: {  	_ = 	snop  }
0x5: {  	_ = 	snop  }
0x6: {  	_ = 	snop  }
0x7: {  	_ = 	snop  }
__scs_overlays_trampoline_lowered:
0x8: {  	[smem:$0x3FAE] =	sst s0  }
0x9: {  	[smem:$0x3FAF] =	sst s1  }
0xa: {  	[smem:$0x3FB0] =	sst s2  }
0xb: {  	[smem:$0x3FB1] =	sst s3  }
0xc: {  	[smem:$0x3FB2] =	sst s4  }
0xd: {  	[smem:$0x3FB3] =	sst s5  }
0xe: {  	[smem:$0x3FB4] =	sst s6  }
0xf: {  	[smem:$0x3FB5] =	sst s7  }
0x10: {  	[smem:$0x3FB6] =	sst s8  }
0x11: {  	[smem:$0x3FB7] =	sst s9;
	s0 =	simm.s32 @!p0 $0x0  }
0x12: {  	s1 =	sld [smem:$0x3F9D];
	s0 =	simm.s32 @p0 $0x1  }
0x13: {  	[smem:$0x3FB8] =	sst s0;
	s0 =	simm.s32 @!p1 $0x0  }
0x14: {  	s2 =	sld [smem:$0x3F9C];
	s0 =	simm.s32 @p1 $0x1  }
0x15: {  	[smem:$0x3FB9] =	sst s0;
	s0 =	simm.s32 @!p2 $0x0  }
0x16: {  	s3 =	sld [smem:$0x3FDB];
	s0 =	simm.s32 @p2 $0x1  }
0x17: {  	s4 =	simm.s32 $0x1BF5;
	[smem:$0x3FBB] =	sst s0  }
0x18: {  	s0 =	sld [smem:$0x3F9E];
	_ =	swait.ge [sflag:s4], $0x0  }
0x19: {  	s7 =	sld [smem:$0x3F9F]  }
0x1a: {  	s8 =	sadd.s32 $0xFFFFE003, lr  }
0x1b: {  	s9 =	sadd.s32 $0xFFFFFEF7, lr;
	s5 =	simm.s32 $0xFFFFFFFF;
	p2 =	slt.u32 s8, $0xFFFFF086  }
0x1c: {  	p1 =	slt.u32 s9, $0xF7A;
	s5 =	simm.s32 @!p2 $0x0  }
0x1d: {  	s5 =	simm.s32 @p1 $0x1;
	p0 =	seq.s32 s7, s2  }
0x1e: {  	s7 =	smul.u32 @!p0 $0xF7A, s2;
	p2 =	seq.s32 @!p0 s5, $0x0  }
0x1f: {  	s9 =	smul.u32 $0xF7A, s1;
	s8 =	simm.s32 @!p0 $0x1BF5;
	p2 =	por !p2, p0  }
0x20: {  	[sflag:s8] =	ssyncset.s32 @!p0 $0xFFFFF086;
	s6 =	sadd.s32 @!p0 s3, s7;
	s7 =	simm.s32 @!p0 $0x108  }
0x21: {  	s3 =	sadd.s32 s3, s9;
	s6 =	sadd.s32 @!p0 $0x88, s6;
	s7 =	simm.s32 @p2 $0x1082  }
0x22: {  	[simem:s7], [sflag:s8] =	dma.local @!p0 [hbm:s6], $0xF7A  }
0x23: {  	s9 =	sor.u32 $0xD0000000, s2;
	s6 =	simm.s32 $0x108;
	_ =	swait.ge @!p0 [sflag:s8], $0x0  }
0x24: {  	s3 =	sadd.s32 $0x88, s3;
	s6 =	simm.s32 @!p1 $0x1082;
	[sflag:s4] =	ssyncset.s32 $0xFFFFF086  }
0x25: {  	[simem:s6], [sflag:s4] =	dma.local [hbm:s3], $0xF7A  }
0x26: {  	[smem:$0x3F9F] =	sst s1;
	(tag) =	ssettag s2;
	_ =	strace s9  }
0x27: {  	s1 =	sld [smem:$0x3FAF]  }
0x28: {  	s2 =	sld [smem:$0x3FB0]  }
0x29: {  	s4 =	sld [smem:$0x3FB2]  }
0x2a: {  	p0 =	seq.s32 s5, $0x0;
	s5 =	sld [smem:$0x3FB3]  }
0x2b: {  	s6 =	sld [smem:$0x3FB4]  }
0x2c: {  	s7 =	sld [smem:$0x3FB5]  }
0x2d: {  	s3 =	simm.s32 $0x108;
	s8 =	sld [smem:$0x3FB6]  }
0x2e: {  	s3 =	simm.s32 @!p0 $0x1082;
	s9 =	sld [smem:$0x3FB7]  }
0x2f: {  	lr =	sadd.s32 s0, s3;
	s0 =	sld [smem:$0x3FAE]  }
0x30: {  	s3 =	sld [smem:$0x3FB1]  }
0x31: {  	[smem:$0x3FBA] =	sst s10  }
0x32: {  	s10 =	sld [smem:$0x3FB8];
	_ =	sdelay $0x3  }
0x33: {  	p0 =	seq.s32 s10, $0x1;
	s10 =	sld [smem:$0x3FBA];
	_ =	sdelay $0x3  }
0x34: {  	[smem:$0x3FBA] =	sst s10  }
0x35: {  	s10 =	sld [smem:$0x3FB9];
	_ =	sdelay $0x3  }
0x36: {  	p1 =	seq.s32 s10, $0x1;
	s10 =	sld [smem:$0x3FBA];
	_ =	sdelay $0x3  }
0x37: {  	[smem:$0x3FBA] =	sst s10  }
0x38: {  	s10 =	sld [smem:$0x3FBB]  }
0x39: {  	_ = 	snop;
	(pc) =	sbr.ind lr, $3  }
0x3a: {  	_ = 	snop  }
0x3b: {  	_ = 	snop  }
0x3c: {  	p2 =	seq.s32 s10, $0x1;
	s10 =	sld [smem:$0x3FBA]  }
0x3d: {  	_ =	shalt  }
0x3e: {  	_ =	shalt  }
0x3f: {  	_ =	shalt  }
0x40: {  	_ =	shalt  }
0x41: {  	_ =	shalt  }
0x42: {  	_ =	shalt  }
0x43: {  	_ =	shalt  }
0x44: {  	_ =	shalt  }
0x45: {  	_ =	shalt  }
0x46: {  	_ =	shalt  }
0x47: {  	_ =	shalt  }
0x48: {  	_ =	shalt  }
0x49: {  	_ =	shalt  }
0x4a: {  	_ =	shalt  }
0x4b: {  	_ =	shalt  }
0x4c: {  	_ =	shalt  }
0x4d: {  	_ =	shalt  }
0x4e: {  	_ =	shalt  }
0x4f: {  	_ =	shalt  }
0x50: {  	_ =	shalt  }
0x51: {  	_ =	shalt  }
0x52: {  	_ =	shalt  }
0x53: {  	_ =	shalt  }
0x54: {  	_ =	shalt  }
0x55: {  	_ =	shalt  }
0x56: {  	_ =	shalt  }
0x57: {  	_ =	shalt  }
0x58: {  	_ =	shalt  }
0x59: {  	_ =	shalt  }
0x5a: {  	_ =	shalt  }
0x5b: {  	_ =	shalt  }
0x5c: {  	_ =	shalt  }
0x5d: {  	_ =	shalt  }
0x5e: {  	_ =	shalt  }
0x5f: {  	_ =	shalt  }
0x60: {  	_ =	shalt  }
0x61: {  	_ =	shalt  }
0x62: {  	_ =	shalt  }
0x63: {  	_ =	shalt  }
0x64: {  	_ =	shalt  }
0x65: {  	_ =	shalt  }
0x66: {  	_ =	shalt  }
0x67: {  	_ =	shalt  }
0x68: {  	_ =	shalt  }
0x69: {  	_ =	shalt  }
0x6a: {  	_ =	shalt  }
0x6b: {  	_ =	shalt  }
0x6c: {  	_ =	shalt  }
0x6d: {  	_ =	shalt  }
0x6e: {  	_ =	shalt  }
0x6f: {  	_ =	shalt  }
0x70: {  	_ =	shalt  }
0x71: {  	_ =	shalt  }
0x72: {  	_ =	shalt  }
0x73: {  	_ =	shalt  }
0x74: {  	_ =	shalt  }
0x75: {  	_ =	shalt  }
0x76: {  	_ =	shalt  }
0x77: {  	_ =	shalt  }
0x78: {  	_ =	shalt  }
0x79: {  	_ =	shalt  }
0x7a: {  	_ =	shalt  }
0x7b: {  	_ =	shalt  }
0x7c: {  	_ =	shalt  }
0x7d: {  	_ =	shalt  }
0x7e: {  	_ =	shalt  }
0x7f: {  	_ =	shalt  }
0x80: {  	_ =	shalt  }
0x81: {  	_ =	shalt  }
0x82: {  	_ =	shalt  }
0x83: {  	_ =	shalt  }
0x84: {  	_ =	shalt  }
0x85: {  	_ =	shalt  }
0x86: {  	_ =	shalt  }
0x87: {  	_ =	shalt  }
.Lfunc_end0:
.L_simem_size_0:
called_computation_lowered:
.L_overlay_start_0:
0x88: {  	s2 =	sld [smem:$0x3FD9]  }
0x89: {  	s3 =	sld [smem:$0x3FFE];
	_ =	sdelay $0x1  }
0x8a: {  	s1 =	srdreg.scid  }
0x8b: {  	s0 =	sand.u32 $0x1, s1  }
0x8c: {  	s18 =	sshll.u32 s0, $0xA;
	s2 =	sadd.s32 s3, s2  }
0x8d: {  	s2 =	sadd.s32 s2, s18  }
0x8e: {  	[smem:$0x3FC6] =	sst s2  }
0x8f: {  	_ = 	snop  }
0x90: {  	s2 =	sld [smem:$0x3FC9]  }
0x91: {  	s19 =	sld [smem:$0x3FC8]  }
0x92: {  	s4 =	sld [smem:$0x3FD0];
	(tm) =	ssettm $0x1  }
0x93: {  	s5 =	sld [smem:$0x3FFB];
	_ =	sdelay $0x3  }
0x94: {  	_ =	strace s5  }
0x95: {  	s5 =	sld [smem:$0x3FFC];
	_ =	sdelay $0x3  }
0x96: {  	_ =	strace s5  }
0x97: {  	s5 =	sld [smem:$0x3FFD];
	_ =	sdelay $0x3  }
0x98: {  	_ =	strace s5  }
0x99: {  	_ =	strace $0x8FFFFFFF  }
0x9a: {  	s20 =	sld [smem:$0x3FDB];
	_ =	sdelay $0x1  }
0x9b: {  	s6 =	simm.s32 $_scs_section_size  }
0x9c: {  	s7 =	simm.s32 $_size__tile_overlayer_lowered;
	s8 =	simm.s32 $_tile_overlayer_lowered  }
0x9d: {  	s23 =	simm.s32 $0x1BFF;
	s22 =	sshll.u32 s8, $0x1;
	s5 =	sadd.s32 s6, s20  }
0x9e: {  	s9 =	simm.s32 $0x0;
	s21 =	sshll.u32 s7, $0x1;
	s7 =	sadd.s32 s22, s5  }
0x9f: {  	[timem:s9], [sflag:s23] =	dma.local [hbm:s7], s21  }
0xa0: {  	_ =	swait.ge [sflag:s23], s21  }
0xa1: {  	s6 =	ssub.s32 $0x0, s21;
	[sflag:s23] =	ssyncset.done $0x0  }
0xa2: {  	[sflag:s23] =	ssyncadd.s32 s6;
	_ =	sdelay $0x1  }
0xa3: {  	s24 =	simm.s32 $0x1B8B  }
0xa4: {  	_ =	swait.ge [sflag:s24], $0x1  }
0xa5: {  	[sflag:s24] =	ssyncset.done $0x0  }
0xa6: {  	s25 =	simm.s32 $0x1B8E;
	[sflag:s24] =	ssyncadd.s32 $0xFFFFFFFF  }
0xa7: {  	s26 =	simm.s32 $execute0_lowered;
	[smem:$0x3FD2] =	sst s25  }
0xa8: {  	s6 =	sshll.u32 s26, $0x1;
	_ =	strace $0x80000046;
	[dreg:$0x1] =	wrdreg $0xFFFFFFFF  }
0xa9: {  	s28 =	simm.s32 $_size_execute0_lowered;
	s5 =	sadd.s32 s5, s6;
	[dreg:$0x0] =	wrdreg $0x0  }
0xaa: {  	s6 =	sshll.u32 s28, $0x1;
	[dreg:$0x2] =	wrdreg s5  }
0xab: {  	[dreg:$0x3] =	wrdreg s6  }
0xac: {  	[dreg:$0x4] =	wrdreg $0xC0  }
0xad: {  	_ =	task [dreg:s9], $0x5FFFF  }
0xae: {  	[dreg:$0x1] =	wrdreg $0xFFFFFFFF  }
0xaf: {  	[dreg:$0x0] =	wrdreg $0x60  }
0xb0: {  	[dreg:$0x2] =	wrdreg s2  }
0xb1: {  	[dreg:$0x3] =	wrdreg s19  }
0xb2: {  	[dreg:$0x4] =	wrdreg s4  }
0xb3: {  	[dreg:$0x5] =	wrdreg $0x9  }
0xb4: {  	_ =	task.clear_ibuf [dreg:s9], $0x6FFFF;
	_ =	strace $0x90000046  }
0xb5: {  	s29 =	simm.s32 $0x9;
	_ =	strace $0x80000048  }
0xb6: {  	_ =	swait.ge [sflag:s29], $0x1  }
0xb7: {  	[sflag:s29] =	ssyncadd.s32 $0xFFFFFFFF  }
0xb8: {  	_ =	strace $0x90000048  }
0xb9: {  	_ =	sfence  }
0xba: {  	s30 =	sld [smem:$0x0];
	_ =	sdelay $0x2  }
0xbb: {  	s31 =	sshll.u32 s1, $0xD;
	s1 =	sshrl.u32 s1, $0x2  }
0xbc: {  	s3 =	sand.u32 $0x4000, s31;
	s1 =	sadd.s32 s1, s30  }
0xbd: {  	s0 =	sor.u32 s3, s0;
	s1 =	sshll.u32 s1, $0x11  }
0xbe: {  	s0 =	sor.u32 s1, s0  }
0xbf: {  	s0 =	sadd.s32 $0x8F2B, s0  }
0xc0: {  	[sflag:s0] =	ssyncadd.remote.s32 $0x1  }
0xc1: {  	_ =	sfence.sel $0xFFFF  }
0xc2: {  	[dreg:$0x0] =	wrdreg $0xFFFFFFFF;
	(pc) =	sbr.abs _section_cstart, $3  }
0xc3: {  	[dreg:$0x1] =	wrdreg $0xFFFFFFFF  }
0xc4: {  	_ =	task.clear_ibuf [dreg:s9], $0x2FFFF;
	_ =	strace $0x9FFFFFFF  }
0xc5: {  	(tm) =	ssettm $0x7FFFFFFF  }
tec
execute0_lowered:
.L_overlay_start_1:
0x0: {  	(tag) =	ssettag $0x1  }
0x1: {  	s1 =	srdreg.scid;
	s0 =	stileid.u32  }
0x2: {  	s14 =	sand.u32 $0x1, s1;
	s24 =	sshll.u32 s0, $0x1  }
0x3: {  	s12 =	sor.u32 s14, s24  }
0x4: {  	s2 =	rddreg [dreg:$0x0];
	s9 =	smul.u32 $0x9E, s12  }
0x5: {  	s3 =	rddreg [dreg:$0x1];
	v18 =	vlaneseq.u32  }
0x6: {  	s15 =	rddreg [dreg:$0x2];
	s4 =	simm.s32 $0x0;
	v0 =	vadd.s32 s9, v18  }
0x7: {  	[smem:$0x7FF] =	sst s4;
	v0 =	vmin.u32 v0, $0x13BF  }
0x8: {  	s5 =	simm.s32 $0x3;
	s1 =	rddreg [dreg:$0x3];
	_ =	strace $0x80000047;
	v1 =	vand.u32 $0x3F, v0  }
0x9: {  	[tilespmem:s4], [sflag:$0x3] =	stream.linear.gather [hbm4b:s3+s4], $0x40, $0x38;
	[tilespmem:$0x50E0] =	vst v63  }
0xa: {  	_ =	swait.ge [sflag:s5], $0x40  }
0xb: {  	[sflag:s5] =	ssyncset.done $0x0  }
0xc: {  	[sflag:s5] =	ssyncadd.s32 $0xFFFFFFC0  }
0xd: {  	v4 =	vld.idx.msk [tilespmem:v1+s4+$0x0], $0xffff  }
0xe: {  	s6 =	sadd.s32 $0x10, s9  }
0xf: {  	v2 =	vadd.s32 s6, v18  }
0x10: {  	vm0 =	vlt.s32 v2, $0x13BF  }
0x11: {  	v2 =	vnsel vm0, $0x13BF, v2  }
0x12: {  	v3 =	vand.u32 $0x3F, v2;
	v4 =	vsub.s32 $0x45, v4  }
0x13: {  	v4 =	vmul.u32 $0x13C0, v4;
	_ =	sdelay $0x1  }
0x14: {  	v4 =	vadd.s32 v0, v4  }
0x15: {  	[tilespmem:$0x40] =	vst v4  }
0x16: {  	v6 =	vld.idx.msk [tilespmem:v3+s4+$0x0], $0xffff  }
0x17: {  	s25 =	sadd.s32 $0x20, s9  }
0x18: {  	v4 =	vadd.s32 s25, v18  }
0x19: {  	vm8 =	vlt.s32 v4, $0x13BF  }
0x1a: {  	v4 =	vnsel vm8, $0x13BF, v4  }
0x1b: {  	v5 =	vand.u32 $0x3F, v4;
	v6 =	vsub.s32 $0x45, v6  }
0x1c: {  	v6 =	vmul.u32 $0x13C0, v6;
	_ =	sdelay $0x1  }
0x1d: {  	v6 =	vadd.s32 v2, v6  }
0x1e: {  	[tilespmem:$0x50] =	vst v6  }
0x1f: {  	v8 =	vld.idx.msk [tilespmem:v5+s4+$0x0], $0xffff  }
0x20: {  	s26 =	sadd.s32 $0x30, s9  }
0x21: {  	v6 =	vadd.s32 s26, v18  }
0x22: {  	vm9 =	vlt.s32 v6, $0x13BF  }
0x23: {  	v6 =	vnsel vm9, $0x13BF, v6  }
0x24: {  	v7 =	vand.u32 $0x3F, v6;
	v8 =	vsub.s32 $0x45, v8  }
0x25: {  	v8 =	vmul.u32 $0x13C0, v8;
	_ =	sdelay $0x1  }
0x26: {  	v8 =	vadd.s32 v4, v8  }
0x27: {  	[tilespmem:$0x60] =	vst v8  }
0x28: {  	v10 =	vld.idx.msk [tilespmem:v7+s4+$0x0], $0xffff  }
0x29: {  	s28 =	sadd.s32 $0x40, s9  }
0x2a: {  	v8 =	vadd.s32 s28, v18  }
0x2b: {  	vm10 =	vlt.s32 v8, $0x13BF  }
0x2c: {  	v8 =	vnsel vm10, $0x13BF, v8  }
0x2d: {  	v9 =	vand.u32 $0x3F, v8;
	v10 =	vsub.s32 $0x45, v10  }
0x2e: {  	v10 =	vmul.u32 $0x13C0, v10;
	_ =	sdelay $0x1  }
0x2f: {  	v10 =	vadd.s32 v6, v10  }
0x30: {  	[tilespmem:$0x70] =	vst v10  }
0x31: {  	v11 =	vld.idx.msk [tilespmem:v9+s4+$0x0], $0xffff;
	_ =	sdelay $0x1  }
0x32: {  	s16 =	sadd.s32 $0x4F, s9  }
0x33: {  	v10 =	vadd.s32 s16, v18  }
0x34: {  	vm11 =	vlt.s32 v10, $0x13BF  }
0x35: {  	v10 =	vnsel vm11, $0x13BF, v10;
	v12 =	vsub.s32 $0x45, v11  }
0x36: {  	v11 =	vand.u32 $0x3F, v10;
	v12 =	vmul.u32 $0x13C0, v12;
	_ =	sdelay $0x1  }
0x37: {  	v12 =	vadd.s32 v8, v12  }
0x38: {  	s7 =	simm.s32 $0x40;
	s8 =	simm.s32 $0xE0;
	s6 =	simm.s32 $0x50;
	[tilespmem:$0x80] =	vst v12  }
0x39: {  	[tilespmem:s8], [sflag:$0x1] =	stream.indirect.gather [hbm4b:s2+s6], $0x80, s7, s6, $0xb8;
	[tilespmem:$0x50E0] =	vst v63  }
0x3a: {  	v14 =	vld.idx.msk [tilespmem:v11+s4+$0x0], $0xffff  }
0x3b: {  	s10 =	sadd.s32 $0x5F, s9  }
0x3c: {  	v12 =	vadd.s32 s10, v18  }
0x3d: {  	vm12 =	vlt.s32 v12, $0x13BF  }
0x3e: {  	v12 =	vnsel vm12, $0x13BF, v12  }
0x3f: {  	v13 =	vand.u32 $0x3F, v12;
	v14 =	vsub.s32 $0x45, v14  }
0x40: {  	v14 =	vmul.u32 $0x13C0, v14;
	_ =	sdelay $0x1  }
0x41: {  	v14 =	vadd.s32 v10, v14  }
0x42: {  	[tilespmem:$0x90] =	vst v14  }
0x43: {  	v16 =	vld.idx.msk [tilespmem:v13+s4+$0x0], $0xffff  }
0x44: {  	s29 =	sadd.s32 $0x6F, s9  }
0x45: {  	v14 =	vadd.s32 s29, v18  }
0x46: {  	vm13 =	vlt.s32 v14, $0x13BF  }
0x47: {  	v14 =	vnsel vm13, $0x13BF, v14  }
0x48: {  	v15 =	vand.u32 $0x3F, v14;
	v16 =	vsub.s32 $0x45, v16  }
0x49: {  	v16 =	vmul.u32 $0x13C0, v16;
	_ =	sdelay $0x1  }
0x4a: {  	v16 =	vadd.s32 v12, v16  }
0x4b: {  	[tilespmem:$0xA0] =	vst v16  }
0x4c: {  	v19 =	vld.idx.msk [tilespmem:v15+s4+$0x0], $0xffff  }
0x4d: {  	s30 =	sadd.s32 $0x7F, s9  }
0x4e: {  	v16 =	vadd.s32 s30, v18  }
0x4f: {  	vm14 =	vlt.s32 v16, $0x13BF  }
0x50: {  	v16 =	vnsel vm14, $0x13BF, v16  }
0x51: {  	v17 =	vand.u32 $0x3F, v16;
	v19 =	vsub.s32 $0x45, v19  }
0x52: {  	v19 =	vmul.u32 $0x13C0, v19;
	_ =	sdelay $0x1  }
0x53: {  	v19 =	vadd.s32 v14, v19  }
0x54: {  	[tilespmem:$0xB0] =	vst v19  }
0x55: {  	v20 =	vld.idx.msk [tilespmem:v17+s4+$0x0], $0xffff  }
0x56: {  	s9 =	sadd.s32 $0x8F, s9  }
0x57: {  	v18 =	vadd.s32 s9, v18  }
0x58: {  	vm15 =	vlt.s32 v18, $0x13BF  }
0x59: {  	v18 =	vnsel vm15, $0x13BF, v18  }
0x5a: {  	v19 =	vand.u32 $0x3F, v18;
	v20 =	vsub.s32 $0x45, v20  }
0x5b: {  	v20 =	vmul.u32 $0x13C0, v20;
	_ =	sdelay $0x1  }
0x5c: {  	v20 =	vadd.s32 v16, v20  }
0x5d: {  	[tilespmem:$0xC0] =	vst v20  }
0x5e: {  	v20 =	vld.idx.msk [tilespmem:v19+s4+$0x0], $0xffff;
	_ =	sdelay $0x4  }
0x5f: {  	v20 =	vsub.s32 $0x45, v20  }
0x60: {  	v20 =	vmul.u32 $0x13C0, v20;
	_ =	sdelay $0x1  }
0x61: {  	s11 =	simm.s32 $0x1;
	v20 =	vadd.s32 v18, v20  }
0x62: {  	s12 =	smul.u32 $0x9E0, s12;
	s10 =	simm.s32 $0x28E0;
	s9 =	simm.s32 $0x90;
	[tilespmem:$0xD0] =	vst v20  }
0x63: {  	[tilespmem:s10], [sflag:$0x2] =	stream.indirect.gather [hbm4b:s2+s6], $0x80, s9, s6, $0xb8;
	[tilespmem:$0x50E0] =	vst v63  }
0x64: {  	s17 =	ssub.s32 $0x2, s14;
	_ =	swait.ge [sflag:s11], $0x2800  }
0x65: {  	s31 =	sshrl.u32 s17, $0x1;
	s13 =	sadd.s32 s15, s12;
	[sflag:s11] =	ssyncset.done $0x0  }
0x66: {  	s12 =	simm.s32 $0x2;
	s16 =	sshll.u32 s16, $0x4;
	[sflag:s11] =	ssyncadd.s32 $0xFFFFD800  }
0x67: {  	[hbm4b:s13+s4] =	stream.linear.scatter [tilespmem:s8], [sflag:$0x1], $0x2780, $0x38;
	[tilespmem:$0x50E0] =	vst v63  }
0x68: {  	s14 =	sadd.s32 s15, s16;
	s15 =	ssub.s32 s17, s31;
	_ =	swait.ge [sflag:s12], $0x2800  }
0x69: {  	s15 =	smax.u32 s15, $0x1;
	[sflag:s12] =	ssyncset.done $0x0  }
0x6a: {  	p0 =	sne.s32 s15, $0x1;
	[sflag:s12] =	ssyncadd.s32 $0xFFFFD800  }
0x6b: {  	[hbm4b:s14+s4] =	stream.linear.scatter [tilespmem:s10], [sflag:$0x2], $0x2780, $0x38;
	[tilespmem:$0x50E0] =	vst v63  }
.Ltmp0:
0x6c: {  	_ =	swait.ge [sflag:s11], $0x2780;
	(pc) =	sbr.rel @!p0 .LBB2_2-.Ltmp0, $4  }
0x6d: {  	[sflag:s11] =	ssyncset.done $0x0  }
0x6e: {  	[sflag:s11] =	ssyncadd.s32 $0xFFFFD880  }
0x6f: {  	_ =	swait.ge [sflag:s12], $0x2780  }
0x70: {  	s15 =	sadd.s32 $0xFFFFFFFF, s15;
	[sflag:s12] =	ssyncset.done $0x0  }
.LBB2_1:
0x71: {  	p0 =	sne.s32 s15, $0x1;
	s15 =	sadd.s32 $0xFFFFFFFF, s15;
	[sflag:s12] =	ssyncadd.s32 $0xFFFFD880  }
0x72: {  	[tilespmem:s4], [sflag:$0x3] =	stream.linear.gather [hbm4b:s3+s4], $0x40, $0x38;
	[tilespmem:$0x50E0] =	vst v63  }
0x73: {  	_ =	swait.ge [sflag:s5], $0x40  }
0x74: {  	[sflag:s5] =	ssyncset.done $0x0  }
0x75: {  	[sflag:s5] =	ssyncadd.s32 $0xFFFFFFC0  }
0x76: {  	v20 =	vld.idx.msk [tilespmem:v1+s4+$0x0], $0xffff;
	_ =	sdelay $0x5  }
0x77: {  	v20 =	vsub.s32 $0x45, v20  }
0x78: {  	v20 =	vmul.u32 $0x13C0, v20;
	_ =	sdelay $0x1  }
0x79: {  	v20 =	vadd.s32 v0, v20  }
0x7a: {  	[tilespmem:$0x40] =	vst v20  }
0x7b: {  	v20 =	vld.idx.msk [tilespmem:v3+s4+$0x0], $0xffff;
	_ =	sdelay $0x5  }
0x7c: {  	v20 =	vsub.s32 $0x45, v20  }
0x7d: {  	v20 =	vmul.u32 $0x13C0, v20;
	_ =	sdelay $0x1  }
0x7e: {  	v20 =	vadd.s32 v2, v20  }
0x7f: {  	[tilespmem:$0x50] =	vst v20  }
0x80: {  	v20 =	vld.idx.msk [tilespmem:v5+s4+$0x0], $0xffff;
	_ =	sdelay $0x5  }
0x81: {  	v20 =	vsub.s32 $0x45, v20  }
0x82: {  	v20 =	vmul.u32 $0x13C0, v20;
	_ =	sdelay $0x1  }
0x83: {  	v20 =	vadd.s32 v4, v20  }
0x84: {  	[tilespmem:$0x60] =	vst v20  }
0x85: {  	v20 =	vld.idx.msk [tilespmem:v7+s4+$0x0], $0xffff;
	_ =	sdelay $0x5  }
0x86: {  	v20 =	vsub.s32 $0x45, v20  }
0x87: {  	v20 =	vmul.u32 $0x13C0, v20;
	_ =	sdelay $0x1  }
0x88: {  	v20 =	vadd.s32 v6, v20  }
0x89: {  	[tilespmem:$0x70] =	vst v20  }
0x8a: {  	v20 =	vld.idx.msk [tilespmem:v9+s4+$0x0], $0xffff;
	_ =	sdelay $0x5  }
0x8b: {  	v20 =	vsub.s32 $0x45, v20  }
0x8c: {  	v20 =	vmul.u32 $0x13C0, v20;
	_ =	sdelay $0x1  }
0x8d: {  	v20 =	vadd.s32 v8, v20  }
0x8e: {  	[tilespmem:$0x80] =	vst v20  }
0x8f: {  	[tilespmem:s8], [sflag:$0x1] =	stream.indirect.gather [hbm4b:s2+s6], $0x80, s7, s6, $0xb8;
	[tilespmem:$0x50E0] =	vst v63  }
0x90: {  	v20 =	vld.idx.msk [tilespmem:v11+s4+$0x0], $0xffff;
	_ =	sdelay $0x5  }
0x91: {  	v20 =	vsub.s32 $0x45, v20  }
0x92: {  	v20 =	vmul.u32 $0x13C0, v20;
	_ =	sdelay $0x1  }
0x93: {  	v20 =	vadd.s32 v10, v20  }
0x94: {  	[tilespmem:$0x90] =	vst v20  }
0x95: {  	v20 =	vld.idx.msk [tilespmem:v13+s4+$0x0], $0xffff;
	_ =	sdelay $0x5  }
0x96: {  	v20 =	vsub.s32 $0x45, v20  }
0x97: {  	v20 =	vmul.u32 $0x13C0, v20;
	_ =	sdelay $0x1  }
0x98: {  	v20 =	vadd.s32 v12, v20  }
0x99: {  	[tilespmem:$0xA0] =	vst v20  }
0x9a: {  	v20 =	vld.idx.msk [tilespmem:v15+s4+$0x0], $0xffff;
	_ =	sdelay $0x5  }
0x9b: {  	v20 =	vsub.s32 $0x45, v20  }
0x9c: {  	v20 =	vmul.u32 $0x13C0, v20;
	_ =	sdelay $0x1  }
0x9d: {  	v20 =	vadd.s32 v14, v20  }
0x9e: {  	[tilespmem:$0xB0] =	vst v20  }
0x9f: {  	v20 =	vld.idx.msk [tilespmem:v17+s4+$0x0], $0xffff;
	_ =	sdelay $0x5  }
0xa0: {  	v20 =	vsub.s32 $0x45, v20  }
0xa1: {  	v20 =	vmul.u32 $0x13C0, v20;
	_ =	sdelay $0x1  }
0xa2: {  	v20 =	vadd.s32 v16, v20  }
0xa3: {  	[tilespmem:$0xC0] =	vst v20  }
0xa4: {  	v20 =	vld.idx.msk [tilespmem:v19+s4+$0x0], $0xffff;
	_ =	sdelay $0x5  }
0xa5: {  	v20 =	vsub.s32 $0x45, v20  }
0xa6: {  	v20 =	vmul.u32 $0x13C0, v20;
	_ =	sdelay $0x1  }
0xa7: {  	v20 =	vadd.s32 v18, v20  }
0xa8: {  	[tilespmem:$0xD0] =	vst v20  }
0xa9: {  	[tilespmem:s10], [sflag:$0x2] =	stream.indirect.gather [hbm4b:s2+s6], $0x80, s9, s6, $0xb8;
	[tilespmem:$0x50E0] =	vst v63  }
0xaa: {  	_ =	swait.ge [sflag:s11], $0x2800  }
0xab: {  	[sflag:s11] =	ssyncset.done $0x0  }
0xac: {  	[sflag:s11] =	ssyncadd.s32 $0xFFFFD800  }
0xad: {  	[hbm4b:s13+s4] =	stream.linear.scatter [tilespmem:s8], [sflag:$0x1], $0x2780, $0x38;
	[tilespmem:$0x50E0] =	vst v63  }
0xae: {  	_ =	swait.ge [sflag:s12], $0x2800  }
0xaf: {  	[sflag:s12] =	ssyncset.done $0x0  }
0xb0: {  	[sflag:s12] =	ssyncadd.s32 $0xFFFFD800  }
0xb1: {  	[hbm4b:s14+s4] =	stream.linear.scatter [tilespmem:s10], [sflag:$0x2], $0x2780, $0x38;
	[tilespmem:$0x50E0] =	vst v63  }
.Ltmp1:
0xb2: {  	_ =	swait.ge [sflag:s11], $0x2780;
	(pc) =	sbr.rel @p0 .LBB2_1-.Ltmp1, $4  }
0xb3: {  	[sflag:s11] =	ssyncset.done $0x0  }
0xb4: {  	[sflag:s11] =	ssyncadd.s32 $0xFFFFD880  }
0xb5: {  	_ =	swait.ge [sflag:s12], $0x2780  }
0xb6: {  	[sflag:s12] =	ssyncset.done $0x0  }
.LBB2_2:
0xb7: {  	[sflag:s12] =	ssyncadd.s32 $0xFFFFD880  }
0xb8: {  	_ =	sfence.sel $0x180000  }
0xb9: {  	[bflag:$0x0] =	sbarrier.arrive $0xFFFF  }
0xba: {  	p0 =	sne.s32 s0, $0x0;
	_ =	strace $0x90000047  }
0xbb: {  	s0 =	sadd.s32 @!p0 $0x100000, s1;
	[bflag:$0x2] =	sbarrier.arrive $0xFFFF  }
0xbc: {  	[sflag:s0] =	ssyncadd.tile.s32 @!p0 $0x1;
	_ =	shalt  }
.Lfunc_end2:
_tile_overlayer_lowered:
.L_overlay_start_2:
0xbd: {  	(tag) =	ssettag $0x2  }
0xbe: {  	s0 =	rddreg [dreg:$0x0];
	s2 =	stileid.u32  }
0xbf: {  	s1 =	rddreg [dreg:$0x1];
	p0 =	sne.s32 s2, $0x0  }
0xc0: {  	s3 =	rddreg [dreg:$0x2];
	[bflag:$0x3] =	sbarrier.arrive $0xFFFF;
	s2 =	simm.s32 @!p0 $0x1C03  }
0xc1: {  	[timem:s3], [sflag:s2] =	dma.local @!p0 [hbm:s0], s1  }
0xc2: {  	s0 =	simm.s32 @!p0 $0x3  }
0xc3: {  	_ =	swait.ge @!p0 [sflag:s0], s1  }
0xc4: {  	s1 =	ssub.s32 @!p0 $0x0, s1;
	[sflag:s0] =	ssyncset.done @!p0 $0x0  }
0xc5: {  	[sflag:s0] =	ssyncadd.s32 @!p0 s1  }
0xc6: {  	[bflag:$0x3] =	sbarrier.arrive $0xFFFF  }
0xc7: {  	_ =	shalt  }

</sc_bundles>
